<compile_context>
chip_gen: v7x
topology: tpu7x:2x2x1
jax: 0.10.2.dev20260603
libtpu: 0.0.44.dev20260713+nightly
codegen_flags: <defaults>
</compile_context>

<pallas_src>
import jax
import jax.numpy as jnp
from jax.experimental import pallas as pl
from jax.experimental.pallas import tpu as pltpu

N = 20000
NPAD = 20480
ROWS = NPAD // 128
B = 128
NB = NPAD // B
KBUF = 1280
IOU_THR = 0.5
SCORE_THR = 0.05
MAX_DET = 1000

_DOT = dict(preferred_element_type=jnp.float32,
            precision=jax.lax.Precision.HIGHEST)


def _nms_body(rx1, ry1, rx2, ry2, rs, out_ref):
    out_ref[...] = jnp.zeros((KBUF, 8), jnp.float32)

    c_iota = jax.lax.broadcasted_iota(jnp.int32, (KBUF, 1), 0)
    jsub = jax.lax.broadcasted_iota(jnp.int32, (B, B), 0)
    ilane = jax.lax.broadcasted_iota(jnp.int32, (B, B), 1)
    tri = jsub < ilane
    u_incl = (jsub <= ilane).astype(jnp.float32)
    ident = (jsub == ilane).astype(jnp.float32)
    ones_row = jnp.ones((1, KBUF), jnp.float32)

    def tcol(v):
        return jax.lax.dot_general(ident, v, (((1,), (1,)), ((), ())), **_DOT)

    def cond(carry):
        b, kcnt, stop = carry
        return (b < NB) & (kcnt < MAX_DET) & jnp.logical_not(stop)

    def body(carry):
        b, kcnt, _ = carry
        x1r = rx1[pl.ds(b, 1), :]
        y1r = ry1[pl.ds(b, 1), :]
        x2r = rx2[pl.ds(b, 1), :]
        y2r = ry2[pl.ds(b, 1), :]
        sr = rs[pl.ds(b, 1), :]
        x1c = tcol(x1r)
        y1c = tcol(y1r)
        x2c = tcol(x2r)
        y2c = tcol(y2r)
        sc = tcol(sr)

        ar_r = (x2r - x1r + 1.0) * (y2r - y1r + 1.0)
        ar_c = (x2c - x1c + 1.0) * (y2c - y1c + 1.0)

        kx1 = out_ref[:, 0:1]
        ky1 = out_ref[:, 1:2]
        kx2 = out_ref[:, 2:3]
        ky2 = out_ref[:, 3:4]
        karea = (kx2 - kx1 + 1.0) * (ky2 - ky1 + 1.0)
        xmin = jnp.maximum(kx1, x1r)
        ymin = jnp.maximum(ky1, y1r)
        xmax = jnp.minimum(kx2, x2r)
        ymax = jnp.minimum(ky2, y2r)
        inter = (jnp.maximum(xmax - xmin, 0.0)
                 * jnp.maximum(ymax - ymin, 0.0))
        iou = inter / (karea + ar_r - inter)
        msup = (iou > IOU_THR).astype(jnp.float32)
        presup = jax.lax.dot_general(ones_row, msup,
                                     (((1,), (0,)), ((), ())), **_DOT)

        xmin2 = jnp.maximum(x1c, x1r)
        ymin2 = jnp.maximum(y1c, y1r)
        xmax2 = jnp.minimum(x2c, x2r)
        ymax2 = jnp.minimum(y2c, y2r)
        inter2 = (jnp.maximum(xmax2 - xmin2, 0.0)
                  * jnp.maximum(ymax2 - ymin2, 0.0))
        iou2 = inter2 / (ar_c + ar_r - inter2)
        smat = ((iou2 > IOU_THR) & tri).astype(jnp.float32)

        base = ((sr >= SCORE_THR) & (presup == 0.0)).astype(jnp.float32)

        def fcond(st):
            return st[1]

        def fbody(st):
            a, _ = st
            cnt = jax.lax.dot_general(a, smat,
                                      (((1,), (0,)), ((), ())), **_DOT)
            a_new = base * (cnt == 0.0).astype(jnp.float32)
            return a_new, jnp.any(a_new != a)

        alive, _ = jax.lax.while_loop(fcond, fbody, (base, True))

        incl = jax.lax.dot_general(alive, u_incl,
                                   (((1,), (0,)), ((), ())), **_DOT)
        pos = kcnt + incl.astype(jnp.int32) - alive.astype(jnp.int32)
        ponehot = ((c_iota == pos) & (alive > 0.0)).astype(jnp.float32)
        dblk = jnp.concatenate(
            [x1c, y1c, x2c, y2c, sc, jnp.zeros((B, 3), jnp.float32)],
            axis=1)
        out_ref[...] += jax.lax.dot_general(ponehot, dblk,
                                            (((1,), (0,)), ((), ())), **_DOT)

        kcnt = kcnt + jnp.sum(alive).astype(jnp.int32)
        stop = jnp.min(sr) < SCORE_THR
        return b + 1, kcnt, stop

    jax.lax.while_loop(cond, body, (jnp.int32(0), jnp.int32(0), False))


def kernel(boxes, scores):
    order = jnp.argsort(-scores, stable=True)
    sb = boxes[order]
    ss = scores[order]
    pad = NPAD - N

    def rows(v, cv=0.0):
        return jnp.pad(v, (0, pad), constant_values=cv).reshape(ROWS, 128)

    rx1 = rows(sb[:, 0])
    ry1 = rows(sb[:, 1])
    rx2 = rows(sb[:, 2])
    ry2 = rows(sb[:, 3])
    rs = rows(ss, cv=-1.0)

    out = pl.pallas_call(
        _nms_body,
        out_shape=jax.ShapeDtypeStruct((KBUF, 8), jnp.float32),
        in_specs=[pl.BlockSpec(memory_space=pltpu.VMEM)] * 5,
        out_specs=pl.BlockSpec(memory_space=pltpu.VMEM),
    )(rx1, ry1, rx2, ry2, rs)

    return out[:MAX_DET, :5]

# --- scband reference (transcript-rebuilt; emitter-appended) ---
"""Pipeline reference for scband-fcosdetector-2997887173051 (READ-ONLY COPY).

The authoritative reference and input builder live on the scoring server;
editing this copy changes nothing except your own understanding.
"""

import jax, jax.numpy as jnp
import numpy as np

N = 20000
IMG = 1024.0
SCORE_THR = 0.05
IOU_THR = 0.5
MAX_DET = 1000


def setup_inputs(seed: int = 0) -> dict:
    key = jax.random.key(seed)
    k1, k2, k3, k4 = jax.random.split(key, 4)
    cx = jax.random.uniform(k1, (N,), minval=0.0, maxval=IMG)
    cy = jax.random.uniform(k2, (N,), minval=0.0, maxval=IMG)
    wh = jax.random.uniform(k3, (N, 2), minval=8.0, maxval=128.0)
    x1 = jnp.clip(cx - wh[:, 0] * 0.5, 0.0, IMG - 1.0)
    y1 = jnp.clip(cy - wh[:, 1] * 0.5, 0.0, IMG - 1.0)
    x2 = jnp.clip(cx + wh[:, 0] * 0.5, 0.0, IMG - 1.0)
    y2 = jnp.clip(cy + wh[:, 1] * 0.5, 0.0, IMG - 1.0)
    boxes = jnp.stack([x1, y1, x2, y2], axis=-1).astype(jnp.float32)
    scores = jax.random.uniform(k4, (N,), dtype=jnp.float32)
    return {"boxes": boxes, "scores": scores}


def _nms(boxes, scores):
    # Faithful to DetectHead.box_nms: areas use the +1 convention,
    # intersection does not; greedy suppression of iou > thr.
    areas = (boxes[:, 2] - boxes[:, 0] + 1.0) * (boxes[:, 3] - boxes[:, 1] + 1.0)
    # score_threshold filtering from DetectHead._post_process
    init_scores = jnp.where(scores >= SCORE_THR, scores, -1.0)

    def step(scores_work, _):
        idx = jnp.argmax(scores_work)
        best_score = scores_work[idx]
        best_box = boxes[idx]
        valid = best_score > 0.0
        xmin = jnp.maximum(boxes[:, 0], best_box[0])
        ymin = jnp.maximum(boxes[:, 1], best_box[1])
        xmax = jnp.minimum(boxes[:, 2], best_box[2])
        ymax = jnp.minimum(boxes[:, 3], best_box[3])
        inter = jnp.clip(xmax - xmin, 0.0) * jnp.clip(ymax - ymin, 0.0)
        iou = inter / (areas[idx] + areas - inter)
        suppress = (iou > IOU_THR) & valid
        new_scores = jnp.where(suppress, -1.0, scores_work)
        new_scores = new_scores.at[idx].set(-1.0)
        out_box = jnp.where(valid, best_box, jnp.zeros_like(best_box))
        out_score = jnp.where(valid, best_score, 0.0)
        det = jnp.concatenate([out_box, out_score[None]], axis=0)
        return new_scores, det

    _, dets = jax.lax.scan(step, init_scores, None, length=MAX_DET)
    return dets  # [MAX_DET, 5] = (x1, y1, x2, y2, score); zero rows are padding


def reference(boxes, scores):
    return _nms(boxes, scores)

if __name__ == "__main__":
    import jax
    _d = setup_inputs()
    print(jax.jit(kernel)(*tuple(_d.values())))

</pallas_src>

<mosaic_0001>
module attributes {stable_mosaic.version = 14 : i64} {
  func.func @_nms_body(%arg0: memref<160x128xf32, #tpu.memory_space<vmem>>, %arg1: memref<160x128xf32, #tpu.memory_space<vmem>>, %arg2: memref<160x128xf32, #tpu.memory_space<vmem>>, %arg3: memref<160x128xf32, #tpu.memory_space<vmem>>, %arg4: memref<160x128xf32, #tpu.memory_space<vmem>>, %arg5: memref<1280x8xf32, #tpu.memory_space<vmem>>) attributes {dimension_semantics = [], scalar_prefetch = 0 : i64, scratch_operands = 0 : i64, tpu.core_type = #tpu.core_type<tc>} {
    %broadcast_in_dim3A = arith.constant 0.000000e+00 : f32
    %broadcast_in_dim3A_0 = vector.broadcast %broadcast_in_dim3A : f32 to vector<1280x8xf32>
    %swap3A = arith.constant 0 : index
    %swap3A_1 = arith.constant 0 : index
    %swap3A_2 = vector.load %arg5[%swap3A, %swap3A_1] : memref<1280x8xf32, #tpu.memory_space<vmem>>, vector<1280x8xf32>
    tpu.vector_store %arg5[%swap3A, %swap3A_1], %broadcast_in_dim3A_0 {strides = array<i32>} : memref<1280x8xf32, #tpu.memory_space<vmem>>, vector<1280x8xf32>,
    %iota3A = tpu.iota {dimensions = array<i32: 0>} : vector<1280x1xi32>
    %iota3A_3 = tpu.iota {dimensions = array<i32: 0>} : vector<128x128xi32>
    %iota3A_4 = tpu.iota {dimensions = array<i32: 1>} : vector<128x128xi32>
    %lt3A = arith.cmpi slt, %iota3A_3, %iota3A_4 : vector<128x128xi32>
    %le3A = arith.cmpi sle, %iota3A_3, %iota3A_4 : vector<128x128xi32>
    %convert_element_type3A = arith.extui %le3A : vector<128x128xi1> to vector<128x128xi32>
    %convert_element_type3A_5 = arith.sitofp %convert_element_type3A : vector<128x128xi32> to vector<128x128xf32>
    %eq3A = arith.cmpi eq, %iota3A_3, %iota3A_4 : vector<128x128xi32>
    %convert_element_type3A_6 = arith.extui %eq3A : vector<128x128xi1> to vector<128x128xi32>
    %convert_element_type3A_7 = arith.sitofp %convert_element_type3A_6 : vector<128x128xi32> to vector<128x128xf32>
    %broadcast_in_dim3A_8 = arith.constant 1.000000e+00 : f32
    %broadcast_in_dim3A_9 = vector.broadcast %broadcast_in_dim3A_8 : f32 to vector<1x1280xf32>
    %while3A = arith.constant 0 : i32
    %while3A_10 = arith.constant 0 : i32
    %while3A_11 = arith.constant false
    %while3A_12:3 = scf.while (%while3A_13 = %while3A, %while3A_14 = %while3A_10, %while3A_15 = %while3A_11) : (i32, i32, i1) -> (i32, i32, i1) {
      %lt3A_16 = arith.constant 160 : i32
      %lt3A_17 = arith.cmpi slt, %while3A_13, %lt3A_16 : i32
      %lt3A_18 = arith.constant 1000 : i32
      %lt3A_19 = arith.cmpi slt, %while3A_14, %lt3A_18 : i32
      %and3A = arith.andi %lt3A_17, %lt3A_19 : i1
      %not3A = arith.constant true
      %not3A_20 = arith.xori %while3A_15, %not3A : i1
      %and3A_21 = arith.andi %and3A, %not3A_20 : i1
      scf.condition(%and3A_21) %while3A_13, %while3A_14, %while3A_15 : i32, i32, i1
    } do {
    ^bb0(%while3A_13: i32, %while3A_14: i32, %while3A_15: i1):
      %get3A = arith.index_cast %while3A_13 : i32 to index
      %get3A_16 = arith.constant 0 : index
      %get3A_17 = vector.load %arg0[%get3A, %get3A_16] : memref<160x128xf32, #tpu.memory_space<vmem>>, vector<1x128xf32>
      %get3A_18 = arith.index_cast %while3A_13 : i32 to index
      %get3A_19 = arith.constant 0 : index
      %get3A_20 = vector.load %arg1[%get3A_18, %get3A_19] : memref<160x128xf32, #tpu.memory_space<vmem>>, vector<1x128xf32>
      %get3A_21 = arith.index_cast %while3A_13 : i32 to index
      %get3A_22 = arith.constant 0 : index
      %get3A_23 = vector.load %arg2[%get3A_21, %get3A_22] : memref<160x128xf32, #tpu.memory_space<vmem>>, vector<1x128xf32>
      %get3A_24 = arith.index_cast %while3A_13 : i32 to index
      %get3A_25 = arith.constant 0 : index
      %get3A_26 = vector.load %arg3[%get3A_24, %get3A_25] : memref<160x128xf32, #tpu.memory_space<vmem>>, vector<1x128xf32>
      %get3A_27 = arith.index_cast %while3A_13 : i32 to index
      %get3A_28 = arith.constant 0 : index
      %get3A_29 = vector.load %arg4[%get3A_27, %get3A_28] : memref<160x128xf32, #tpu.memory_space<vmem>>, vector<1x128xf32>
      %dot_general3A = arith.constant dense<0.000000e+00> : vector<128x1xf32>
      %dot_general3A_30 = tpu.matmul %convert_element_type3A_7, %get3A_17, %dot_general3A {dimension_numbers = #tpu.dot_dimension_numbers<[1], [1], [0], [0], [0, 0, 1, 0], [], []>, precision = #tpu.contract_precision<fp32>, transpose_lhs_hint = false} : vector<128x128xf32>, vector<1x128xf32>, vector<128x1xf32> -> vector<128x1xf32>
      %dot_general3A_31 = arith.constant dense<0.000000e+00> : vector<128x1xf32>
      %dot_general3A_32 = tpu.matmul %convert_element_type3A_7, %get3A_20, %dot_general3A_31 {dimension_numbers = #tpu.dot_dimension_numbers<[1], [1], [0], [0], [0, 0, 1, 0], [], []>, precision = #tpu.contract_precision<fp32>, transpose_lhs_hint = false} : vector<128x128xf32>, vector<1x128xf32>, vector<128x1xf32> -> vector<128x1xf32>
      %dot_general3A_33 = arith.constant dense<0.000000e+00> : vector<128x1xf32>
      %dot_general3A_34 = tpu.matmul %convert_element_type3A_7, %get3A_23, %dot_general3A_33 {dimension_numbers = #tpu.dot_dimension_numbers<[1], [1], [0], [0], [0, 0, 1, 0], [], []>, precision = #tpu.contract_precision<fp32>, transpose_lhs_hint = false} : vector<128x128xf32>, vector<1x128xf32>, vector<128x1xf32> -> vector<128x1xf32>
      %dot_general3A_35 = arith.constant dense<0.000000e+00> : vector<128x1xf32>
      %dot_general3A_36 = tpu.matmul %convert_element_type3A_7, %get3A_26, %dot_general3A_35 {dimension_numbers = #tpu.dot_dimension_numbers<[1], [1], [0], [0], [0, 0, 1, 0], [], []>, precision = #tpu.contract_precision<fp32>, transpose_lhs_hint = false} : vector<128x128xf32>, vector<1x128xf32>, vector<128x1xf32> -> vector<128x1xf32>
      %dot_general3A_37 = arith.constant dense<0.000000e+00> : vector<128x1xf32>
      %dot_general3A_38 = tpu.matmul %convert_element_type3A_7, %get3A_29, %dot_general3A_37 {dimension_numbers = #tpu.dot_dimension_numbers<[1], [1], [0], [0], [0, 0, 1, 0], [], []>, precision = #tpu.contract_precision<fp32>, transpose_lhs_hint = false} : vector<128x128xf32>, vector<1x128xf32>, vector<128x1xf32> -> vector<128x1xf32>
      %sub3A = arith.subf %get3A_23, %get3A_17 : vector<1x128xf32>
      %add3A = arith.constant 1.000000e+00 : f32
      %add3A_39 = vector.broadcast %add3A : f32 to vector<1x128xf32>
      %add3A_40 = arith.addf %sub3A, %add3A_39 : vector<1x128xf32>
      %sub3A_41 = arith.subf %get3A_26, %get3A_20 : vector<1x128xf32>
      %add3A_42 = arith.constant 1.000000e+00 : f32
      %add3A_43 = vector.broadcast %add3A_42 : f32 to vector<1x128xf32>
      %add3A_44 = arith.addf %sub3A_41, %add3A_43 : vector<1x128xf32>
      %mul3A = arith.mulf %add3A_40, %add3A_44 : vector<1x128xf32>
      %sub3A_45 = arith.subf %dot_general3A_34, %dot_general3A_30 : vector<128x1xf32>
      %add3A_46 = arith.constant 1.000000e+00 : f32
      %add3A_47 = vector.broadcast %add3A_46 : f32 to vector<128x1xf32>
      %add3A_48 = arith.addf %sub3A_45, %add3A_47 : vector<128x1xf32>
      %sub3A_49 = arith.subf %dot_general3A_36, %dot_general3A_32 : vector<128x1xf32>
      %add3A_50 = arith.constant 1.000000e+00 : f32
      %add3A_51 = vector.broadcast %add3A_50 : f32 to vector<128x1xf32>
      %add3A_52 = arith.addf %sub3A_49, %add3A_51 : vector<128x1xf32>
      %mul3A_53 = arith.mulf %add3A_48, %add3A_52 : vector<128x1xf32>
      %get3A_54 = arith.constant 0 : index
      %get3A_55 = arith.constant 0 : index
      %get3A_56 = vector.load %arg5[%get3A_54, %get3A_55] : memref<1280x8xf32, #tpu.memory_space<vmem>>, vector<1280x1xf32>
      %get3A_57 = arith.constant 0 : index
      %get3A_58 = arith.constant 1 : index
      %get3A_59 = vector.load %arg5[%get3A_57, %get3A_58] : memref<1280x8xf32, #tpu.memory_space<vmem>>, vector<1280x1xf32>
      %get3A_60 = arith.constant 0 : index
      %get3A_61 = arith.constant 2 : index
      %get3A_62 = vector.load %arg5[%get3A_60, %get3A_61] : memref<1280x8xf32, #tpu.memory_space<vmem>>, vector<1280x1xf32>
      %get3A_63 = arith.constant 0 : index
      %get3A_64 = arith.constant 3 : index
      %get3A_65 = vector.load %arg5[%get3A_63, %get3A_64] : memref<1280x8xf32, #tpu.memory_space<vmem>>, vector<1280x1xf32>
      %sub3A_66 = arith.subf %get3A_62, %get3A_56 : vector<1280x1xf32>
      %add3A_67 = arith.constant 1.000000e+00 : f32
      %add3A_68 = vector.broadcast %add3A_67 : f32 to vector<1280x1xf32>
      %add3A_69 = arith.addf %sub3A_66, %add3A_68 : vector<1280x1xf32>
      %sub3A_70 = arith.subf %get3A_65, %get3A_59 : vector<1280x1xf32>
      %add3A_71 = arith.constant 1.000000e+00 : f32
      %add3A_72 = vector.broadcast %add3A_71 : f32 to vector<1280x1xf32>
      %add3A_73 = arith.addf %sub3A_70, %add3A_72 : vector<1280x1xf32>
      %mul3A_74 = arith.mulf %add3A_69, %add3A_73 : vector<1280x1xf32>
      %max3A = vector.broadcast %get3A_56 : vector<1280x1xf32> to vector<1280x128xf32>
      %max3A_75 = vector.broadcast %get3A_17 : vector<1x128xf32> to vector<1280x128xf32>
      %max3A_76 = arith.maximumf %max3A, %max3A_75 : vector<1280x128xf32>
      %max3A_77 = vector.broadcast %get3A_59 : vector<1280x1xf32> to vector<1280x128xf32>
      %max3A_78 = vector.broadcast %get3A_20 : vector<1x128xf32> to vector<1280x128xf32>
      %max3A_79 = arith.maximumf %max3A_77, %max3A_78 : vector<1280x128xf32>
      %min3A = vector.broadcast %get3A_62 : vector<1280x1xf32> to vector<1280x128xf32>
      %min3A_80 = vector.broadcast %get3A_23 : vector<1x128xf32> to vector<1280x128xf32>
      %min3A_81 = arith.minimumf %min3A, %min3A_80 : vector<1280x128xf32>
      %min3A_82 = vector.broadcast %get3A_65 : vector<1280x1xf32> to vector<1280x128xf32>
      %min3A_83 = vector.broadcast %get3A_26 : vector<1x128xf32> to vector<1280x128xf32>
      %min3A_84 = arith.minimumf %min3A_82, %min3A_83 : vector<1280x128xf32>
      %sub3A_85 = arith.subf %min3A_81, %max3A_76 : vector<1280x128xf32>
      %max3A_86 = arith.constant 0.000000e+00 : f32
      %max3A_87 = vector.broadcast %max3A_86 : f32 to vector<1280x128xf32>
      %max3A_88 = arith.maximumf %sub3A_85, %max3A_87 : vector<1280x128xf32>
      %sub3A_89 = arith.subf %min3A_84, %max3A_79 : vector<1280x128xf32>
      %max3A_90 = arith.constant 0.000000e+00 : f32
      %max3A_91 = vector.broadcast %max3A_90 : f32 to vector<1280x128xf32>
      %max3A_92 = arith.maximumf %sub3A_89, %max3A_91 : vector<1280x128xf32>
      %mul3A_93 = arith.mulf %max3A_88, %max3A_92 : vector<1280x128xf32>
      %add3A_94 = vector.broadcast %mul3A_74 : vector<1280x1xf32> to vector<1280x128xf32>
      %add3A_95 = vector.broadcast %mul3A : vector<1x128xf32> to vector<1280x128xf32>
      %add3A_96 = arith.addf %add3A_94, %add3A_95 : vector<1280x128xf32>
      %sub3A_97 = arith.subf %add3A_96, %mul3A_93 : vector<1280x128xf32>
      %div3A = arith.divf %mul3A_93, %sub3A_97 : vector<1280x128xf32>
      %gt3A = arith.constant 5.000000e-01 : f32
      %gt3A_98 = vector.broadcast %gt3A : f32 to vector<1280x128xf32>
      %gt3A_99 = arith.cmpf ogt, %div3A, %gt3A_98 : vector<1280x128xf32>
      %convert_element_type3A_100 = arith.extui %gt3A_99 : vector<1280x128xi1> to vector<1280x128xi32>
      %convert_element_type3A_101 = arith.sitofp %convert_element_type3A_100 : vector<1280x128xi32> to vector<1280x128xf32>
      %dot_general3A_102 = arith.constant dense<0.000000e+00> : vector<1x128xf32>
      %dot_general3A_103 = tpu.matmul %broadcast_in_dim3A_9, %convert_element_type3A_101, %dot_general3A_102 {dimension_numbers = #tpu.dot_dimension_numbers<[1], [0], [0], [1], [0, 0, 1, 1], [], []>, precision = #tpu.contract_precision<fp32>, transpose_lhs_hint = false} : vector<1x1280xf32>, vector<1280x128xf32>, vector<1x128xf32> -> vector<1x128xf32>
      %max3A_104 = vector.broadcast %dot_general3A_30 : vector<128x1xf32> to vector<128x128xf32>
      %max3A_105 = vector.broadcast %get3A_17 : vector<1x128xf32> to vector<128x128xf32>
      %max3A_106 = arith.maximumf %max3A_104, %max3A_105 : vector<128x128xf32>
      %max3A_107 = vector.broadcast %dot_general3A_32 : vector<128x1xf32> to vector<128x128xf32>
      %max3A_108 = vector.broadcast %get3A_20 : vector<1x128xf32> to vector<128x128xf32>
      %max3A_109 = arith.maximumf %max3A_107, %max3A_108 : vector<128x128xf32>
      %min3A_110 = vector.broadcast %dot_general3A_34 : vector<128x1xf32> to vector<128x128xf32>
      %min3A_111 = vector.broadcast %get3A_23 : vector<1x128xf32> to vector<128x128xf32>
      %min3A_112 = arith.minimumf %min3A_110, %min3A_111 : vector<128x128xf32>
      %min3A_113 = vector.broadcast %dot_general3A_36 : vector<128x1xf32> to vector<128x128xf32>
      %min3A_114 = vector.broadcast %get3A_26 : vector<1x128xf32> to vector<128x128xf32>
      %min3A_115 = arith.minimumf %min3A_113, %min3A_114 : vector<128x128xf32>
      %sub3A_116 = arith.subf %min3A_112, %max3A_106 : vector<128x128xf32>
      %max3A_117 = arith.constant 0.000000e+00 : f32
      %max3A_118 = vector.broadcast %max3A_117 : f32 to vector<128x128xf32>
      %max3A_119 = arith.maximumf %sub3A_116, %max3A_118 : vector<128x128xf32>
      %sub3A_120 = arith.subf %min3A_115, %max3A_109 : vector<128x128xf32>
      %max3A_121 = arith.constant 0.000000e+00 : f32
      %max3A_122 = vector.broadcast %max3A_121 : f32 to vector<128x128xf32>
      %max3A_123 = arith.maximumf %sub3A_120, %max3A_122 : vector<128x128xf32>
      %mul3A_124 = arith.mulf %max3A_119, %max3A_123 : vector<128x128xf32>
      %add3A_125 = vector.broadcast %mul3A_53 : vector<128x1xf32> to vector<128x128xf32>
      %add3A_126 = vector.broadcast %mul3A : vector<1x128xf32> to vector<128x128xf32>
      %add3A_127 = arith.addf %add3A_125, %add3A_126 : vector<128x128xf32>
      %sub3A_128 = arith.subf %add3A_127, %mul3A_124 : vector<128x128xf32>
      %div3A_129 = arith.divf %mul3A_124, %sub3A_128 : vector<128x128xf32>
      %gt3A_130 = arith.constant 5.000000e-01 : f32
      %gt3A_131 = vector.broadcast %gt3A_130 : f32 to vector<128x128xf32>
      %gt3A_132 = arith.cmpf ogt, %div3A_129, %gt3A_131 : vector<128x128xf32>
      %and3A = arith.andi %gt3A_132, %lt3A : vector<128x128xi1>
      %convert_element_type3A_133 = arith.extui %and3A : vector<128x128xi1> to vector<128x128xi32>
      %convert_element_type3A_134 = arith.sitofp %convert_element_type3A_133 : vector<128x128xi32> to vector<128x128xf32>
      %ge3A = arith.constant 5.000000e-02 : f32
      %ge3A_135 = vector.broadcast %ge3A : f32 to vector<1x128xf32>
      %ge3A_136 = arith.cmpf oge, %get3A_29, %ge3A_135 : vector<1x128xf32>
      %eq3A_137 = arith.constant 0.000000e+00 : f32
      %eq3A_138 = vector.broadcast %eq3A_137 : f32 to vector<1x128xf32>
      %eq3A_139 = arith.cmpf oeq, %dot_general3A_103, %eq3A_138 : vector<1x128xf32>
      %and3A_140 = arith.andi %ge3A_136, %eq3A_139 : vector<1x128xi1>
      %convert_element_type3A_141 = arith.extui %and3A_140 : vector<1x128xi1> to vector<1x128xi32>
      %convert_element_type3A_142 = arith.sitofp %convert_element_type3A_141 : vector<1x128xi32> to vector<1x128xf32>
      %while3A_143 = arith.constant true
      %while3A_144:2 = scf.while (%while3A_187 = %convert_element_type3A_142, %while3A_188 = %while3A_143) : (vector<1x128xf32>, i1) -> (vector<1x128xf32>, i1) {
        scf.condition(%while3A_188) %while3A_187, %while3A_188 : vector<1x128xf32>, i1
      } do {
      ^bb0(%while3A_187: vector<1x128xf32>, %while3A_188: i1):
        %dot_general3A_189 = arith.constant dense<0.000000e+00> : vector<1x128xf32>
        %dot_general3A_190 = tpu.matmul %while3A_187, %convert_element_type3A_134, %dot_general3A_189 {dimension_numbers = #tpu.dot_dimension_numbers<[1], [0], [0], [1], [0, 0, 1, 1], [], []>, precision = #tpu.contract_precision<fp32>, transpose_lhs_hint = false} : vector<1x128xf32>, vector<128x128xf32>, vector<1x128xf32> -> vector<1x128xf32>
        %eq3A_191 = arith.constant 0.000000e+00 : f32
        %eq3A_192 = vector.broadcast %eq3A_191 : f32 to vector<1x128xf32>
        %eq3A_193 = arith.cmpf oeq, %dot_general3A_190, %eq3A_192 : vector<1x128xf32>
        %convert_element_type3A_194 = arith.extui %eq3A_193 : vector<1x128xi1> to vector<1x128xi32>
        %convert_element_type3A_195 = arith.sitofp %convert_element_type3A_194 : vector<1x128xi32> to vector<1x128xf32>
        %mul3A_196 = arith.mulf %convert_element_type3A_142, %convert_element_type3A_195 : vector<1x128xf32>
        %ne3A = arith.cmpf one, %mul3A_196, %while3A_187 : vector<1x128xf32>
        %reduce_or3A = arith.constant 1.000000e+00 : f32
        %reduce_or3A_197 = arith.constant 0.000000e+00 : f32
        %reduce_or3A_198 = vector.broadcast %reduce_or3A : f32 to vector<1x128xf32>
        %reduce_or3A_199 = vector.broadcast %reduce_or3A_197 : f32 to vector<1x128xf32>
        %reduce_or3A_200 = arith.select %ne3A, %reduce_or3A_198, %reduce_or3A_199 : vector<1x128xi1>, vector<1x128xf32>
        %reduce_or3A_201 = vector.shape_cast %reduce_or3A_200 : vector<1x128xf32> to vector<1x1x128xf32>
        %reduce_or3A_202 = arith.constant dense<0xFF800000> : vector<1xf32>
        %reduce_or3A_203 = vector.multi_reduction <maximumf>, %reduce_or3A_201, %reduce_or3A_202 [1, 2] : vector<1x1x128xf32> to vector<1xf32>
        %reduce_or3A_204 = vector.shape_cast %reduce_or3A_203 : vector<1xf32> to vector<1x1x1xf32>
        %reduce_or3A_205 = vector.extract %reduce_or3A_204[0, 0, 0] : f32 from vector<1x1x1xf32>
        %reduce_or3A_206 = arith.constant 0.000000e+00 : f32
        %reduce_or3A_207 = arith.cmpf ogt, %reduce_or3A_205, %reduce_or3A_206 : f32
        scf.yield %mul3A_196, %reduce_or3A_207 : vector<1x128xf32>, i1
      }
      %dot_general3A_145 = arith.constant dense<0.000000e+00> : vector<1x128xf32>
      %dot_general3A_146 = tpu.matmul %while3A_144#0, %convert_element_type3A_5, %dot_general3A_145 {dimension_numbers = #tpu.dot_dimension_numbers<[1], [0], [0], [1], [0, 0, 1, 1], [], []>, precision = #tpu.contract_precision<fp32>, transpose_lhs_hint = false} : vector<1x128xf32>, vector<128x128xf32>, vector<1x128xf32> -> vector<1x128xf32>
      %convert_element_type3A_147 = arith.fptosi %dot_general3A_146 : vector<1x128xf32> to vector<1x128xi32>
      %add3A_148 = vector.broadcast %while3A_14 : i32 to vector<1x128xi32>
      %add3A_149 = arith.addi %add3A_148, %convert_element_type3A_147 : vector<1x128xi32>
      %convert_element_type3A_150 = arith.fptosi %while3A_144#0 : vector<1x128xf32> to vector<1x128xi32>
      %sub3A_151 = arith.subi %add3A_149, %convert_element_type3A_150 : vector<1x128xi32>
      %eq3A_152 = vector.broadcast %iota3A : vector<1280x1xi32> to vector<1280x128xi32>
      %eq3A_153 = vector.broadcast %sub3A_151 : vector<1x128xi32> to vector<1280x128xi32>
      %eq3A_154 = arith.cmpi eq, %eq3A_152, %eq3A_153 : vector<1280x128xi32>
      %gt3A_155 = arith.constant 0.000000e+00 : f32
      %gt3A_156 = vector.broadcast %gt3A_155 : f32 to vector<1x128xf32>
      %gt3A_157 = arith.cmpf ogt, %while3A_144#0, %gt3A_156 : vector<1x128xf32>
      %and3A_158 = vector.broadcast %gt3A_157 : vector<1x128xi1> to vector<1280x128xi1>
      %and3A_159 = arith.andi %eq3A_154, %and3A_158 : vector<1280x128xi1>
      %convert_element_type3A_160 = arith.extui %and3A_159 : vector<1280x128xi1> to vector<1280x128xi32>
      %convert_element_type3A_161 = arith.sitofp %convert_element_type3A_160 : vector<1280x128xi32> to vector<1280x128xf32>
      %broadcast_in_dim3A_162 = arith.constant 0.000000e+00 : f32
      %broadcast_in_dim3A_163 = vector.broadcast %broadcast_in_dim3A_162 : f32 to vector<128x3xf32>
      %concatenate3A = tpu.concatenate %dot_general3A_30, %dot_general3A_32, %dot_general3A_34, %dot_general3A_36, %dot_general3A_38, %broadcast_in_dim3A_163 in 1 : vector<128x1xf32>, vector<128x1xf32>, vector<128x1xf32>, vector<128x1xf32>, vector<128x1xf32>, vector<128x3xf32> -> vector<128x8xf32>
      %get3A_164 = arith.constant 0 : index
      %get3A_165 = arith.constant 0 : index
      %get3A_166 = vector.load %arg5[%get3A_164, %get3A_165] : memref<1280x8xf32, #tpu.memory_space<vmem>>, vector<1280x8xf32>
      %dot_general3A_167 = arith.constant dense<0.000000e+00> : vector<1280x8xf32>
      %dot_general3A_168 = tpu.matmul %convert_element_type3A_161, %concatenate3A, %dot_general3A_167 {dimension_numbers = #tpu.dot_dimension_numbers<[1], [0], [0], [1], [0, 0, 1, 1], [], []>, precision = #tpu.contract_precision<fp32>, transpose_lhs_hint = false} : vector<1280x128xf32>, vector<128x8xf32>, vector<1280x8xf32> -> vector<1280x8xf32>
      %add3A_169 = arith.addf %get3A_166, %dot_general3A_168 : vector<1280x8xf32>
      %swap3A_170 = arith.constant 0 : index
      %swap3A_171 = arith.constant 0 : index
      %swap3A_172 = vector.load %arg5[%swap3A_170, %swap3A_171] : memref<1280x8xf32, #tpu.memory_space<vmem>>, vector<1280x8xf32>
      tpu.vector_store %arg5[%swap3A_170, %swap3A_171], %add3A_169 {strides = array<i32>} : memref<1280x8xf32, #tpu.memory_space<vmem>>, vector<1280x8xf32>,
      %reduce_sum3A = vector.shape_cast %while3A_144#0 : vector<1x128xf32> to vector<1x1x128xf32>
      %reduce_sum3A_173 = arith.constant dense<0.000000e+00> : vector<1xf32>
      %reduce_sum3A_174 = vector.multi_reduction <add>, %reduce_sum3A, %reduce_sum3A_173 [1, 2] : vector<1x1x128xf32> to vector<1xf32>
      %reduce_sum3A_175 = vector.shape_cast %reduce_sum3A_174 : vector<1xf32> to vector<1x1x1xf32>
      %reduce_sum3A_176 = vector.extract %reduce_sum3A_175[0, 0, 0] : f32 from vector<1x1x1xf32>
      %convert_element_type3A_177 = arith.fptosi %reduce_sum3A_176 : f32 to i32
      %add3A_178 = arith.addi %while3A_14, %convert_element_type3A_177 : i32
      %reduce_min3A = vector.shape_cast %get3A_29 : vector<1x128xf32> to vector<1x1x128xf32>
      %reduce_min3A_179 = arith.constant dense<0x7F800000> : vector<1xf32>
      %reduce_min3A_180 = vector.multi_reduction <minimumf>, %reduce_min3A, %reduce_min3A_179 [1, 2] : vector<1x1x128xf32> to vector<1xf32>
      %reduce_min3A_181 = vector.shape_cast %reduce_min3A_180 : vector<1xf32> to vector<1x1x1xf32>
      %reduce_min3A_182 = vector.extract %reduce_min3A_181[0, 0, 0] : f32 from vector<1x1x1xf32>
      %lt3A_183 = arith.constant 5.000000e-02 : f32
      %lt3A_184 = arith.cmpf olt, %reduce_min3A_182, %lt3A_183 : f32
      %add3A_185 = arith.constant 1 : i32
      %add3A_186 = arith.addi %while3A_13, %add3A_185 : i32
      scf.yield %add3A_186, %add3A_178, %lt3A_184 : i32, i32, i1
    }
    return
  }
}

</mosaic_0001>

<sc_bundles>
// kernel: gather_offload_async_start.1
scs
__scs_entry_jumppad:
0x0: {  	(pc) =	sbr.rel $0x88, $3  }
0x1: {  	(tag) =	ssettag $0x0;
	lr =	simm.s32 $0x1  }
0x2: {  	[smem:$0x3F9F] =	sst lr;
	_ =	strace $0xD0000000  }
0x3: {  	_ = 	snop  }
0x4: {  	_ = 	snop  }
0x5: {  	_ = 	snop  }
0x6: {  	_ = 	snop  }
0x7: {  	_ = 	snop  }
__scs_overlays_trampoline_lowered:
0x8: {  	[smem:$0x3FAE] =	sst s0  }
0x9: {  	[smem:$0x3FAF] =	sst s1  }
0xa: {  	[smem:$0x3FB0] =	sst s2  }
0xb: {  	[smem:$0x3FB1] =	sst s3  }
0xc: {  	[smem:$0x3FB2] =	sst s4  }
0xd: {  	[smem:$0x3FB3] =	sst s5  }
0xe: {  	[smem:$0x3FB4] =	sst s6  }
0xf: {  	[smem:$0x3FB5] =	sst s7  }
0x10: {  	[smem:$0x3FB6] =	sst s8  }
0x11: {  	[smem:$0x3FB7] =	sst s9;
	s0 =	simm.s32 @!p0 $0x0  }
0x12: {  	s1 =	sld [smem:$0x3F9D];
	s0 =	simm.s32 @p0 $0x1  }
0x13: {  	[smem:$0x3FB8] =	sst s0;
	s0 =	simm.s32 @!p1 $0x0  }
0x14: {  	s2 =	sld [smem:$0x3F9C];
	s0 =	simm.s32 @p1 $0x1  }
0x15: {  	[smem:$0x3FB9] =	sst s0;
	s0 =	simm.s32 @!p2 $0x0  }
0x16: {  	s3 =	sld [smem:$0x3FDB];
	s0 =	simm.s32 @p2 $0x1  }
0x17: {  	s4 =	simm.s32 $0x1BF5;
	[smem:$0x3FBB] =	sst s0  }
0x18: {  	s0 =	sld [smem:$0x3F9E];
	_ =	swait.ge [sflag:s4], $0x0  }
0x19: {  	s7 =	sld [smem:$0x3F9F]  }
0x1a: {  	s8 =	sadd.s32 $0xFFFFE003, lr  }
0x1b: {  	s9 =	sadd.s32 $0xFFFFFEF7, lr;
	s5 =	simm.s32 $0xFFFFFFFF;
	p2 =	slt.u32 s8, $0xFFFFF086  }
0x1c: {  	p1 =	slt.u32 s9, $0xF7A;
	s5 =	simm.s32 @!p2 $0x0  }
0x1d: {  	s5 =	simm.s32 @p1 $0x1;
	p0 =	seq.s32 s7, s2  }
0x1e: {  	s7 =	smul.u32 @!p0 $0xF7A, s2;
	p2 =	seq.s32 @!p0 s5, $0x0  }
0x1f: {  	s9 =	smul.u32 $0xF7A, s1;
	s8 =	simm.s32 @!p0 $0x1BF5;
	p2 =	por !p2, p0  }
0x20: {  	[sflag:s8] =	ssyncset.s32 @!p0 $0xFFFFF086;
	s6 =	sadd.s32 @!p0 s3, s7;
	s7 =	simm.s32 @!p0 $0x108  }
0x21: {  	s3 =	sadd.s32 s3, s9;
	s6 =	sadd.s32 @!p0 $0x88, s6;
	s7 =	simm.s32 @p2 $0x1082  }
0x22: {  	[simem:s7], [sflag:s8] =	dma.local @!p0 [hbm:s6], $0xF7A  }
0x23: {  	s9 =	sor.u32 $0xD0000000, s2;
	s6 =	simm.s32 $0x108;
	_ =	swait.ge @!p0 [sflag:s8], $0x0  }
0x24: {  	s3 =	sadd.s32 $0x88, s3;
	s6 =	simm.s32 @!p1 $0x1082;
	[sflag:s4] =	ssyncset.s32 $0xFFFFF086  }
0x25: {  	[simem:s6], [sflag:s4] =	dma.local [hbm:s3], $0xF7A  }
0x26: {  	[smem:$0x3F9F] =	sst s1;
	(tag) =	ssettag s2;
	_ =	strace s9  }
0x27: {  	s1 =	sld [smem:$0x3FAF]  }
0x28: {  	s2 =	sld [smem:$0x3FB0]  }
0x29: {  	s4 =	sld [smem:$0x3FB2]  }
0x2a: {  	p0 =	seq.s32 s5, $0x0;
	s5 =	sld [smem:$0x3FB3]  }
0x2b: {  	s6 =	sld [smem:$0x3FB4]  }
0x2c: {  	s7 =	sld [smem:$0x3FB5]  }
0x2d: {  	s3 =	simm.s32 $0x108;
	s8 =	sld [smem:$0x3FB6]  }
0x2e: {  	s3 =	simm.s32 @!p0 $0x1082;
	s9 =	sld [smem:$0x3FB7]  }
0x2f: {  	lr =	sadd.s32 s0, s3;
	s0 =	sld [smem:$0x3FAE]  }
0x30: {  	s3 =	sld [smem:$0x3FB1]  }
0x31: {  	[smem:$0x3FBA] =	sst s10  }
0x32: {  	s10 =	sld [smem:$0x3FB8];
	_ =	sdelay $0x3  }
0x33: {  	p0 =	seq.s32 s10, $0x1;
	s10 =	sld [smem:$0x3FBA];
	_ =	sdelay $0x3  }
0x34: {  	[smem:$0x3FBA] =	sst s10  }
0x35: {  	s10 =	sld [smem:$0x3FB9];
	_ =	sdelay $0x3  }
0x36: {  	p1 =	seq.s32 s10, $0x1;
	s10 =	sld [smem:$0x3FBA];
	_ =	sdelay $0x3  }
0x37: {  	[smem:$0x3FBA] =	sst s10  }
0x38: {  	s10 =	sld [smem:$0x3FBB]  }
0x39: {  	_ = 	snop;
	(pc) =	sbr.ind lr, $3  }
0x3a: {  	_ = 	snop  }
0x3b: {  	_ = 	snop  }
0x3c: {  	p2 =	seq.s32 s10, $0x1;
	s10 =	sld [smem:$0x3FBA]  }
0x3d: {  	_ =	shalt  }
0x3e: {  	_ =	shalt  }
0x3f: {  	_ =	shalt  }
0x40: {  	_ =	shalt  }
0x41: {  	_ =	shalt  }
0x42: {  	_ =	shalt  }
0x43: {  	_ =	shalt  }
0x44: {  	_ =	shalt  }
0x45: {  	_ =	shalt  }
0x46: {  	_ =	shalt  }
0x47: {  	_ =	shalt  }
0x48: {  	_ =	shalt  }
0x49: {  	_ =	shalt  }
0x4a: {  	_ =	shalt  }
0x4b: {  	_ =	shalt  }
0x4c: {  	_ =	shalt  }
0x4d: {  	_ =	shalt  }
0x4e: {  	_ =	shalt  }
0x4f: {  	_ =	shalt  }
0x50: {  	_ =	shalt  }
0x51: {  	_ =	shalt  }
0x52: {  	_ =	shalt  }
0x53: {  	_ =	shalt  }
0x54: {  	_ =	shalt  }
0x55: {  	_ =	shalt  }
0x56: {  	_ =	shalt  }
0x57: {  	_ =	shalt  }
0x58: {  	_ =	shalt  }
0x59: {  	_ =	shalt  }
0x5a: {  	_ =	shalt  }
0x5b: {  	_ =	shalt  }
0x5c: {  	_ =	shalt  }
0x5d: {  	_ =	shalt  }
0x5e: {  	_ =	shalt  }
0x5f: {  	_ =	shalt  }
0x60: {  	_ =	shalt  }
0x61: {  	_ =	shalt  }
0x62: {  	_ =	shalt  }
0x63: {  	_ =	shalt  }
0x64: {  	_ =	shalt  }
0x65: {  	_ =	shalt  }
0x66: {  	_ =	shalt  }
0x67: {  	_ =	shalt  }
0x68: {  	_ =	shalt  }
0x69: {  	_ =	shalt  }
0x6a: {  	_ =	shalt  }
0x6b: {  	_ =	shalt  }
0x6c: {  	_ =	shalt  }
0x6d: {  	_ =	shalt  }
0x6e: {  	_ =	shalt  }
0x6f: {  	_ =	shalt  }
0x70: {  	_ =	shalt  }
0x71: {  	_ =	shalt  }
0x72: {  	_ =	shalt  }
0x73: {  	_ =	shalt  }
0x74: {  	_ =	shalt  }
0x75: {  	_ =	shalt  }
0x76: {  	_ =	shalt  }
0x77: {  	_ =	shalt  }
0x78: {  	_ =	shalt  }
0x79: {  	_ =	shalt  }
0x7a: {  	_ =	shalt  }
0x7b: {  	_ =	shalt  }
0x7c: {  	_ =	shalt  }
0x7d: {  	_ =	shalt  }
0x7e: {  	_ =	shalt  }
0x7f: {  	_ =	shalt  }
0x80: {  	_ =	shalt  }
0x81: {  	_ =	shalt  }
0x82: {  	_ =	shalt  }
0x83: {  	_ =	shalt  }
0x84: {  	_ =	shalt  }
0x85: {  	_ =	shalt  }
0x86: {  	_ =	shalt  }
0x87: {  	_ =	shalt  }
.Lfunc_end0:
.L_simem_size_0:
called_computation.1_lowered:
.L_overlay_start_0:
0x88: {  	s2 =	sld [smem:$0x3FD9]  }
0x89: {  	s3 =	sld [smem:$0x3FFE];
	_ =	sdelay $0x1  }
0x8a: {  	s1 =	srdreg.scid  }
0x8b: {  	s0 =	sand.u32 $0x1, s1  }
0x8c: {  	s17 =	sshll.u32 s0, $0xA;
	s2 =	sadd.s32 s3, s2  }
0x8d: {  	s2 =	sadd.s32 s2, s17  }
0x8e: {  	[smem:$0x3FC6] =	sst s2  }
0x8f: {  	_ = 	snop  }
0x90: {  	s2 =	sld [smem:$0x3FC8];
	(tm) =	ssettm $0x1  }
0x91: {  	s18 =	sld [smem:$0x3FFB];
	_ =	sdelay $0x3  }
0x92: {  	_ =	strace s18  }
0x93: {  	s3 =	sld [smem:$0x3FFC];
	_ =	sdelay $0x3  }
0x94: {  	_ =	strace s3  }
0x95: {  	s3 =	sld [smem:$0x3FFD];
	_ =	sdelay $0x3  }
0x96: {  	_ =	strace s3  }
0x97: {  	_ =	strace $0x8FFFFFFF  }
0x98: {  	s19 =	sld [smem:$0x3FDB];
	_ =	sdelay $0x1  }
0x99: {  	s4 =	simm.s32 $_scs_section_size  }
0x9a: {  	s5 =	simm.s32 $_size__tile_overlayer_lowered;
	s6 =	simm.s32 $_tile_overlayer_lowered  }
0x9b: {  	s22 =	simm.s32 $0x1BFF;
	s21 =	sshll.u32 s6, $0x1;
	s3 =	sadd.s32 s4, s19  }
0x9c: {  	s7 =	simm.s32 $0x0;
	s20 =	sshll.u32 s5, $0x1;
	s5 =	sadd.s32 s21, s3  }
0x9d: {  	[timem:s7], [sflag:s22] =	dma.local [hbm:s5], s20  }
0x9e: {  	_ =	swait.ge [sflag:s22], s20  }
0x9f: {  	s4 =	ssub.s32 $0x0, s20;
	[sflag:s22] =	ssyncset.done $0x0  }
0xa0: {  	[sflag:s22] =	ssyncadd.s32 s4;
	_ =	sdelay $0x1  }
0xa1: {  	s23 =	simm.s32 $0x1B8B  }
0xa2: {  	_ =	swait.ge [sflag:s23], $0x1  }
0xa3: {  	[sflag:s23] =	ssyncset.done $0x0  }
0xa4: {  	s25 =	simm.s32 $0x1B8E;
	s24 =	sld [smem:$0x3FFE];
	[sflag:s23] =	ssyncadd.s32 $0xFFFFFFFF  }
0xa5: {  	s26 =	simm.s32 $execute0_lowered;
	[smem:$0x3FD2] =	sst s25  }
0xa6: {  	s5 =	sshll.u32 s26, $0x1;
	_ =	strace $0x80000046;
	[dreg:$0x1] =	wrdreg $0xFFFFFFFF  }
0xa7: {  	s28 =	simm.s32 $_size_execute0_lowered;
	s3 =	sadd.s32 s3, s5;
	[dreg:$0x0] =	wrdreg $0x0  }
0xa8: {  	s5 =	sshll.u32 s28, $0x1;
	[dreg:$0x2] =	wrdreg s3  }
0xa9: {  	[dreg:$0x3] =	wrdreg s5  }
0xaa: {  	[dreg:$0x4] =	wrdreg $0xC0  }
0xab: {  	_ =	task [dreg:s7], $0x5FFFF  }
0xac: {  	[dreg:$0x1] =	wrdreg $0xFFFFFFFF  }
0xad: {  	[dreg:$0x0] =	wrdreg $0x60  }
0xae: {  	[dreg:$0x2] =	wrdreg s2  }
0xaf: {  	[dreg:$0x3] =	wrdreg s24  }
0xb0: {  	[dreg:$0x4] =	wrdreg $0xA  }
0xb1: {  	_ =	task.clear_ibuf [dreg:s7], $0x5FFFF;
	_ =	strace $0x90000046  }
0xb2: {  	s29 =	simm.s32 $0xA;
	_ =	strace $0x80000048  }
0xb3: {  	_ =	swait.ge [sflag:s29], $0x1  }
0xb4: {  	[sflag:s29] =	ssyncadd.s32 $0xFFFFFFFF  }
0xb5: {  	_ =	strace $0x90000048  }
0xb6: {  	_ =	sfence  }
0xb7: {  	s30 =	sld [smem:$0x0];
	_ =	sdelay $0x2  }
0xb8: {  	s31 =	sshll.u32 s1, $0xD;
	s1 =	sshrl.u32 s1, $0x2  }
0xb9: {  	s3 =	sand.u32 $0x4000, s31;
	s1 =	sadd.s32 s1, s30  }
0xba: {  	s0 =	sor.u32 s3, s0;
	s1 =	sshll.u32 s1, $0x11  }
0xbb: {  	s0 =	sor.u32 s1, s0  }
0xbc: {  	s0 =	sadd.s32 $0x8F2B, s0  }
0xbd: {  	[sflag:s0] =	ssyncadd.remote.s32 $0x1  }
0xbe: {  	_ =	sfence.sel $0xFFFF  }
0xbf: {  	[dreg:$0x0] =	wrdreg $0xFFFFFFFF;
	(pc) =	sbr.abs _section_cstart, $3  }
0xc0: {  	[dreg:$0x1] =	wrdreg $0xFFFFFFFF  }
0xc1: {  	_ =	task.clear_ibuf [dreg:s7], $0x2FFFF;
	_ =	strace $0x9FFFFFFF  }
0xc2: {  	(tm) =	ssettm $0x7FFFFFFF  }
0xc3: {  	_ =	shalt  }
tec
execute0_lowered:
.L_overlay_start_1:
0x0: {  	(tag) =	ssettag $0x1  }
0x1: {  	s2 =	rddreg [dreg:$0x0]  }
0x2: {  	s3 =	rddreg [dreg:$0x1];
	s1 =	stileid.u32  }
0x3: {  	s4 =	srdreg.scid;
	s0 =	rddreg [dreg:$0x2];
	_ =	strace $0x80000047  }
0x4: {  	s7 =	simm.s32 $0x1;
	s8 =	simm.s32 $0x1;
	s9 =	simm.s32 $0x3  }
0x5: {  	s10 =	simm.s32 $0x0;
	s5 =	sand.u32 $0x1, s4;
	s6 =	sshll.u32 s1, $0x1  }
0x6: {  	s13 =	simm.s32 $0x0;
	s4 =	simm.s32 $0x1;
	s5 =	sor.u32 s6, s5  }
.Ltmp0:
0x7: {  	[sflag:s4] =	ssyncpa.u1 $0x0;
	p0 =	slt.u32 s5, $0x13;
	(pc) =	sbr.rel .LBB2_1-.Ltmp0, $4  }
0x8: {  	s6 =	simm.s32 $0x2;
	s7 =	simm.s32 @!p0 $0x0;
	p0 =	sne.s32 s5, $0x12  }
0x9: {  	[sflag:s6] =	ssyncpa.u1 $0x0;
	s5 =	smul.u32 $0x190, s5;
	s8 =	simm.s32 @!p0 $0x0  }
0xa: {  	s12 =	simm.s32 $0x0;
	[sflag:s9] =	ssyncpa.u1 $0x0;
	s7 =	sadd.s32 s8, s7  }
0xb: {  	vm0 =	vmmov $0xffff;
	s8 =	sadd.s32 $0xA00, s3;
	s11 =	smov.u32 s5;
	s9 =	sadd.s32 $0x1, s7  }
.LBB2_4:
0xc: {  	v2 =	vnsel vm1, $0x0, v2  }
0xd: {  	vm1 =	vgt.s32 v0, $0x0;
	v2 =	vmin.u32 v2, $0x4E1F  }
0xe: {  	v0 =	vnsel vm1, $0x0, v0  }
0xf: {  	v0 =	vmin.u32 v0, $0x4E1F  }
0x10: {  	[tilespmem:s18], [sflag:$0x1] =	stream.indirect_vreg.gather [hbm4b:s2+s10], $0x1, v1, vm0, $0x4038;
	[tilespmem:$0x640] =	vst v63  }
0x11: {  	(ifvalue) =	ssetifvalue $0x7FFFFFFF  }
0x12: {  	[tilespmem:s15], [sflag:$0x1] =	stream.indirect_vreg.gather [hbm4b:s2+s10], $0x1, v2, vm0, $0x4038;
	[tilespmem:$0x640] =	vst v63  }
0x13: {  	s29 =	sadd.s32 $0x10, s15;
	(ifvalue) =	ssetifvalue $0x7FFFFFFF  }
0x14: {  	[tilespmem:s29], [sflag:$0x1] =	stream.indirect_vreg.gather [hbm4b:s2+s10], $0x1, v0, vm0, $0x4038;
	[tilespmem:$0x640] =	vst v63  }
0x15: {  	_ =	swait.ge [sflag:s4], $0x190  }
0x16: {  	s30 =	sshrl.u32 s13, $0x3;
	[sflag:s4] =	ssyncset.done $0x0  }
0x17: {  	s31 =	sand.u32 $0x7, s13;
	s15 =	sadd.s32 s8, s30;
	[sflag:s4] =	ssyncadd.s32 $0xFFFFFE70  }
0x18: {  	[hbm4b:s15+s31] =	stream.linear.scatter [tilespmem:s14], [sflag:$0x3], $0x190, $0x38;
	[tilespmem:$0x640] =	vst v63  }
.LBB2_5:
0x19: {  	s15 =	sadd.s32 $0x3200, s11  }
0x1a: {  	p1 =	sgt.s32 s15, $0x4E1F  }
0x1b: {  	s15 =	smov.u32 @p1 s5;
	p1 =	sne.s32 s12, s9  }
.Ltmp1:
0x1c: {  	p0 =	slt.u32 s12, $0x2;
	(pc) =	sbr.rel @!p1 .LBB2_6-.Ltmp1, $4  }
0x1d: {  	s14 =	simm.s32 @!p0 $0x3  }
0x1e: {  	_ =	swait.ge @!p0 [sflag:s14], $0x190  }
0x1f: {  	s16 =	sadd.s32 $0x1, s12;
	s13 =	smov.u32 s11;
	[sflag:s14] =	ssyncset.done @!p0 $0x0  }
0x20: {  	s12 =	smov.u32 s16;
	s11 =	smov.u32 s15;
	[sflag:s14] =	ssyncadd.s32 @!p0 $0xFFFFFE70  }
.LBB2_1:
0x21: {  	p0 =	sge.u32 s12, s7  }
0x22: {  	s14 =	sxor.u32 @!p0 $0x1, s12  }
0x23: {  	s14 =	smul.u32 @!p0 $0x640, s14  }
0x24: {  	s31 =	sadd.s32 $0xFFFFFFFF, s12;
	s15 =	sshrl.u32 @!p0 s11, $0x3  }
0x25: {  	s16 =	sand.u32 @!p0 $0x7, s11;
	s15 =	sadd.s32 @!p0 s3, s15;
	s14 =	sshra.s32 @!p0 s14, $0x2  }
0x26: {  	[tilespmem:s14], [sflag:$0x2] =	stream.linear.gather @!p0 [hbm4b:s15+s16], $0x190, $0x38;
	[tilespmem:$0x640] =	vst v63  }
0x27: {  	p0 =	sge.u32 s31, s7  }
.Ltmp2:
0x28: {  	_ = 	snop;
	(pc) =	sbr.rel @p0 .LBB2_5-.Ltmp2, $1  }
0x29: {  	_ =	sdelay $0x3  }
0x2a: {  	s14 =	sand.u32 $0x1, s12  }
0x2b: {  	_ =	swait.ge [sflag:s6], $0x190;
	p0 =	seq.s32 s14, $0x1;
	s14 =	simm.s32 $0x190  }
0x2c: {  	[sflag:s6] =	ssyncset.done $0x0;
	s14 =	simm.s32 @!p0 $0x0  }
0x2d: {  	[sflag:s6] =	ssyncadd.s32 $0xFFFFFE70;
	(ifvalue) =	ssetifvalue $0x7FFFFFFF;
	v0 =	vld.msk [tilespmem:s14+$0x0 ss:$0x1], $0xffff;
	_ =	sdelay $0x4  }
0x2e: {  	s15 =	sadd.s32 $0x10, s14;
	vm1 =	vgt.s32 v0, $0x0  }
0x2f: {  	v2 =	vld.msk [tilespmem:s15+$0x0 ss:$0x1], $0xffff;
	v1 =	vnsel vm1, $0x0, v0  }
0x30: {  	v1 =	vmin.u32 v1, $0x4E1F;
	_ =	sdelay $0x2  }
0x31: {  	s17 =	simm.s32 $0x20;
	s14 =	sadd.s32 $0x320, s14;
	s16 =	sadd.s32 $0x10, s15  }
0x32: {  	s15 =	sadd.s32 $0x10, s14;
	s18 =	smov.u32 s14;
	v0 =	vld.msk [tilespmem:s16+$0x0 ss:$0x1], $0xffff;
	vm1 =	vgt.s32 v2, $0x0;
	(ifvalue) =	ssetifvalue $0x7FFFFFFF  }
.LBB2_3:
0x33: {  	[tilespmem:s18], [sflag:$0x1] =	stream.indirect_vreg.gather [hbm4b:s2+s10], $0x1, v1, vm0, $0x4038;
	[tilespmem:$0x640] =	vst v63  }
0x34: {  	s17 =	sadd.s32 $0x10, s17  }
0x35: {  	v2 =	vnsel vm1, $0x0, v2;
	p0 =	slt.u32 s17, $0x180  }
.Ltmp3:
0x36: {  	s18 =	smov.u32 s15;
	v1 =	vmin.u32 v2, $0x4E1F;
	(pc) =	sbr.rel @p0 .LBB2_3-.Ltmp3, $3  }
0x37: {  	_ =	sdelay $0x1  }
0x38: {  	s16 =	sadd.s32 $0x10, s16  }
0x39: {  	vm1 =	vgt.s32 v0, $0x0;
	s15 =	sadd.s32 $0x10, s15;
	v2 =	vmov v0;
	(ifvalue) =	ssetifvalue $0x7FFFFFFF;
	v0 =	vld.msk [tilespmem:s16+$0x0 ss:$0x1], $0xffff  }
.Ltmp4:
0x3a: {  	_ = 	snop;
	(pc) =	sbr.rel .LBB2_4-.Ltmp4, $1  }
0x3b: {  	_ =	sdelay $0x3  }
.LBB2_6:
0x3c: {  	_ =	sfence.sel $0x180000  }
0x3d: {  	s2 =	simm.s32 $0x2;
	[bflag:$0x0] =	sbarrier.arrive $0xFFFF  }
0x3e: {  	s30 =	simm.s32 $0x3;
	[sflag:s2] =	ssyncpa.u1 $0x1  }
0x3f: {  	s31 =	simm.s32 $0x1;
	[sflag:s30] =	ssyncpa.u1 $0x1  }
0x40: {  	[sflag:s31] =	ssyncpa.u1 $0x1  }
0x41: {  	p0 =	sne.s32 s1, $0x0;
	_ =	strace $0x90000047  }
0x42: {  	s0 =	sadd.s32 @!p0 $0x100000, s0;
	[bflag:$0x2] =	sbarrier.arrive $0xFFFF  }
0x43: {  	[sflag:s0] =	ssyncadd.tile.s32 @!p0 $0x1;
	_ =	shalt  }
.Lfunc_end2:
_tile_overlayer_lowered:
.L_overlay_start_2:
0x44: {  	(tag) =	ssettag $0x2  }
0x45: {  	s0 =	rddreg [dreg:$0x0];
	s2 =	stileid.u32  }
0x46: {  	s1 =	rddreg [dreg:$0x1];
	p0 =	sne.s32 s2, $0x0  }
0x47: {  	s3 =	rddreg [dreg:$0x2];
	[bflag:$0x3] =	sbarrier.arrive $0xFFFF;
	s2 =	simm.s32 @!p0 $0x1C01  }
0x48: {  	[timem:s3], [sflag:s2] =	dma.local @!p0 [hbm:s0], s1  }
0x49: {  	s0 =	simm.s32 @!p0 $0x1  }
0x4a: {  	_ =	swait.ge @!p0 [sflag:s0], s1  }
0x4b: {  	s1 =	ssub.s32 @!p0 $0x0, s1;
	[sflag:s0] =	ssyncset.done @!p0 $0x0  }
0x4c: {  	[sflag:s0] =	ssyncadd.s32 @!p0 s1  }
0x4d: {  	[bflag:$0x3] =	sbarrier.arrive $0xFFFF  }
0x4e: {  	_ =	shalt  }

// kernel: gather_offload_async_start
scs
__scs_entry_jumppad:
0x0: {  	(pc) =	sbr.rel $0x88, $3  }
0x1: {  	(tag) =	ssettag $0x0;
	lr =	simm.s32 $0x1  }
0x2: {  	[smem:$0x3F9F] =	sst lr;
	_ =	strace $0xD0000000  }
0x3: {  	_ = 	snop  }
0x4: {  	_ = 	snop  }
0x5: {  	_ = 	snop  }
0x6: {  	_ = 	snop  }
0x7: {  	_ = 	snop  }
__scs_overlays_trampoline_lowered:
0x8: {  	[smem:$0x3FAE] =	sst s0  }
0x9: {  	[smem:$0x3FAF] =	sst s1  }
0xa: {  	[smem:$0x3FB0] =	sst s2  }
0xb: {  	[smem:$0x3FB1] =	sst s3  }
0xc: {  	[smem:$0x3FB2] =	sst s4  }
0xd: {  	[smem:$0x3FB3] =	sst s5  }
0xe: {  	[smem:$0x3FB4] =	sst s6  }
0xf: {  	[smem:$0x3FB5] =	sst s7  }
0x10: {  	[smem:$0x3FB6] =	sst s8  }
0x11: {  	[smem:$0x3FB7] =	sst s9;
	s0 =	simm.s32 @!p0 $0x0  }
0x12: {  	s1 =	sld [smem:$0x3F9D];
	s0 =	simm.s32 @p0 $0x1  }
0x13: {  	[smem:$0x3FB8] =	sst s0;
	s0 =	simm.s32 @!p1 $0x0  }
0x14: {  	s2 =	sld [smem:$0x3F9C];
	s0 =	simm.s32 @p1 $0x1  }
0x15: {  	[smem:$0x3FB9] =	sst s0;
	s0 =	simm.s32 @!p2 $0x0  }
0x16: {  	s3 =	sld [smem:$0x3FDB];
	s0 =	simm.s32 @p2 $0x1  }
0x17: {  	s4 =	simm.s32 $0x1BF5;
	[smem:$0x3FBB] =	sst s0  }
0x18: {  	s0 =	sld [smem:$0x3F9E];
	_ =	swait.ge [sflag:s4], $0x0  }
0x19: {  	s7 =	sld [smem:$0x3F9F]  }
0x1a: {  	s8 =	sadd.s32 $0xFFFFE003, lr  }
0x1b: {  	s9 =	sadd.s32 $0xFFFFFEF7, lr;
	s5 =	simm.s32 $0xFFFFFFFF;
	p2 =	slt.u32 s8, $0xFFFFF086  }
0x1c: {  	p1 =	slt.u32 s9, $0xF7A;
	s5 =	simm.s32 @!p2 $0x0  }
0x1d: {  	s5 =	simm.s32 @p1 $0x1;
	p0 =	seq.s32 s7, s2  }
0x1e: {  	s7 =	smul.u32 @!p0 $0xF7A, s2;
	p2 =	seq.s32 @!p0 s5, $0x0  }
0x1f: {  	s9 =	smul.u32 $0xF7A, s1;
	s8 =	simm.s32 @!p0 $0x1BF5;
	p2 =	por !p2, p0  }
0x20: {  	[sflag:s8] =	ssyncset.s32 @!p0 $0xFFFFF086;
	s6 =	sadd.s32 @!p0 s3, s7;
	s7 =	simm.s32 @!p0 $0x108  }
0x21: {  	s3 =	sadd.s32 s3, s9;
	s6 =	sadd.s32 @!p0 $0x88, s6;
	s7 =	simm.s32 @p2 $0x1082  }
0x22: {  	[simem:s7], [sflag:s8] =	dma.local @!p0 [hbm:s6], $0xF7A  }
0x23: {  	s9 =	sor.u32 $0xD0000000, s2;
	s6 =	simm.s32 $0x108;
	_ =	swait.ge @!p0 [sflag:s8], $0x0  }
0x24: {  	s3 =	sadd.s32 $0x88, s3;
	s6 =	simm.s32 @!p1 $0x1082;
	[sflag:s4] =	ssyncset.s32 $0xFFFFF086  }
0x25: {  	[simem:s6], [sflag:s4] =	dma.local [hbm:s3], $0xF7A  }
0x26: {  	[smem:$0x3F9F] =	sst s1;
	(tag) =	ssettag s2;
	_ =	strace s9  }
0x27: {  	s1 =	sld [smem:$0x3FAF]  }
0x28: {  	s2 =	sld [smem:$0x3FB0]  }
0x29: {  	s4 =	sld [smem:$0x3FB2]  }
0x2a: {  	p0 =	seq.s32 s5, $0x0;
	s5 =	sld [smem:$0x3FB3]  }
0x2b: {  	s6 =	sld [smem:$0x3FB4]  }
0x2c: {  	s7 =	sld [smem:$0x3FB5]  }
0x2d: {  	s3 =	simm.s32 $0x108;
	s8 =	sld [smem:$0x3FB6]  }
0x2e: {  	s3 =	simm.s32 @!p0 $0x1082;
	s9 =	sld [smem:$0x3FB7]  }
0x2f: {  	lr =	sadd.s32 s0, s3;
	s0 =	sld [smem:$0x3FAE]  }
0x30: {  	s3 =	sld [smem:$0x3FB1]  }
0x31: {  	[smem:$0x3FBA] =	sst s10  }
0x32: {  	s10 =	sld [smem:$0x3FB8];
	_ =	sdelay $0x3  }
0x33: {  	p0 =	seq.s32 s10, $0x1;
	s10 =	sld [smem:$0x3FBA];
	_ =	sdelay $0x3  }
0x34: {  	[smem:$0x3FBA] =	sst s10  }
0x35: {  	s10 =	sld [smem:$0x3FB9];
	_ =	sdelay $0x3  }
0x36: {  	p1 =	seq.s32 s10, $0x1;
	s10 =	sld [smem:$0x3FBA];
	_ =	sdelay $0x3  }
0x37: {  	[smem:$0x3FBA] =	sst s10  }
0x38: {  	s10 =	sld [smem:$0x3FBB]  }
0x39: {  	_ = 	snop;
	(pc) =	sbr.ind lr, $3  }
0x3a: {  	_ = 	snop  }
0x3b: {  	_ = 	snop  }
0x3c: {  	p2 =	seq.s32 s10, $0x1;
	s10 =	sld [smem:$0x3FBA]  }
0x3d: {  	_ =	shalt  }
0x3e: {  	_ =	shalt  }
0x3f: {  	_ =	shalt  }
0x40: {  	_ =	shalt  }
0x41: {  	_ =	shalt  }
0x42: {  	_ =	shalt  }
0x43: {  	_ =	shalt  }
0x44: {  	_ =	shalt  }
0x45: {  	_ =	shalt  }
0x46: {  	_ =	shalt  }
0x47: {  	_ =	shalt  }
0x48: {  	_ =	shalt  }
0x49: {  	_ =	shalt  }
0x4a: {  	_ =	shalt  }
0x4b: {  	_ =	shalt  }
0x4c: {  	_ =	shalt  }
0x4d: {  	_ =	shalt  }
0x4e: {  	_ =	shalt  }
0x4f: {  	_ =	shalt  }
0x50: {  	_ =	shalt  }
0x51: {  	_ =	shalt  }
0x52: {  	_ =	shalt  }
0x53: {  	_ =	shalt  }
0x54: {  	_ =	shalt  }
0x55: {  	_ =	shalt  }
0x56: {  	_ =	shalt  }
0x57: {  	_ =	shalt  }
0x58: {  	_ =	shalt  }
0x59: {  	_ =	shalt  }
0x5a: {  	_ =	shalt  }
0x5b: {  	_ =	shalt  }
0x5c: {  	_ =	shalt  }
0x5d: {  	_ =	shalt  }
0x5e: {  	_ =	shalt  }
0x5f: {  	_ =	shalt  }
0x60: {  	_ =	shalt  }
0x61: {  	_ =	shalt  }
0x62: {  	_ =	shalt  }
0x63: {  	_ =	shalt  }
0x64: {  	_ =	shalt  }
0x65: {  	_ =	shalt  }
0x66: {  	_ =	shalt  }
0x67: {  	_ =	shalt  }
0x68: {  	_ =	shalt  }
0x69: {  	_ =	shalt  }
0x6a: {  	_ =	shalt  }
0x6b: {  	_ =	shalt  }
0x6c: {  	_ =	shalt  }
0x6d: {  	_ =	shalt  }
0x6e: {  	_ =	shalt  }
0x6f: {  	_ =	shalt  }
0x70: {  	_ =	shalt  }
0x71: {  	_ =	shalt  }
0x72: {  	_ =	shalt  }
0x73: {  	_ =	shalt  }
0x74: {  	_ =	shalt  }
0x75: {  	_ =	shalt  }
0x76: {  	_ =	shalt  }
0x77: {  	_ =	shalt  }
0x78: {  	_ =	shalt  }
0x79: {  	_ =	shalt  }
0x7a: {  	_ =	shalt  }
0x7b: {  	_ =	shalt  }
0x7c: {  	_ =	shalt  }
0x7d: {  	_ =	shalt  }
0x7e: {  	_ =	shalt  }
0x7f: {  	_ =	shalt  }
0x80: {  	_ =	shalt  }
0x81: {  	_ =	shalt  }
0x82: {  	_ =	shalt  }
0x83: {  	_ =	shalt  }
0x84: {  	_ =	shalt  }
0x85: {  	_ =	shalt  }
0x86: {  	_ =	shalt  }
0x87: {  	_ =	shalt  }
.Lfunc_end0:
.L_simem_size_0:
called_computation_lowered:
.L_overlay_start_0:
0x88: {  	s2 =	sld [smem:$0x3FD9]  }
0x89: {  	s3 =	sld [smem:$0x3FFE];
	_ =	sdelay $0x1  }
0x8a: {  	s1 =	srdreg.scid  }
0x8b: {  	s0 =	sand.u32 $0x1, s1  }
0x8c: {  	s17 =	sshll.u32 s0, $0xA;
	s2 =	sadd.s32 s3, s2  }
0x8d: {  	s2 =	sadd.s32 s2, s17  }
0x8e: {  	[smem:$0x3FC6] =	sst s2  }
0x8f: {  	_ = 	snop  }
0x90: {  	(tm) =	ssettm $0x1  }
0x91: {  	s18 =	sld [smem:$0x3FFB];
	_ =	sdelay $0x3  }
0x92: {  	_ =	strace s18  }
0x93: {  	s2 =	sld [smem:$0x3FFC];
	_ =	sdelay $0x3  }
0x94: {  	_ =	strace s2  }
0x95: {  	s2 =	sld [smem:$0x3FFD];
	_ =	sdelay $0x3  }
0x96: {  	_ =	strace s2  }
0x97: {  	_ =	strace $0x8FFFFFFF  }
0x98: {  	s19 =	sld [smem:$0x3FDB];
	_ =	sdelay $0x1  }
0x99: {  	s20 =	simm.s32 $_scs_section_size  }
0x9a: {  	s4 =	simm.s32 $_size__tile_overlayer_lowered;
	s5 =	simm.s32 $_tile_overlayer_lowered  }
0x9b: {  	s6 =	simm.s32 $0x1BFF;
	s21 =	sshll.u32 s5, $0x1;
	s3 =	sadd.s32 s20, s19  }
0x9c: {  	s22 =	simm.s32 $0x0;
	s4 =	sshll.u32 s4, $0x1;
	s5 =	sadd.s32 s21, s3  }
0x9d: {  	[timem:s22], [sflag:s6] =	dma.local [hbm:s5], s4  }
0x9e: {  	_ =	swait.ge [sflag:s6], s4  }
0x9f: {  	s4 =	ssub.s32 $0x0, s4;
	[sflag:s6] =	ssyncset.done $0x0  }
0xa0: {  	[sflag:s6] =	ssyncadd.s32 s4;
	_ =	sdelay $0x1  }
0xa1: {  	s23 =	simm.s32 $0x1B8B  }
0xa2: {  	_ =	swait.ge [sflag:s23], $0x1  }
0xa3: {  	[sflag:s23] =	ssyncset.done $0x0  }
0xa4: {  	[sflag:s23] =	ssyncadd.s32 $0xFFFFFFFF  }
0xa5: {  	s4 =	sld [smem:$0x0]  }
0xa6: {  	s5 =	sand.u32 $0xFFFFFFFE, s1  }
0xa7: {  	p0 =	sne.s32 s1, s5  }
0xa8: {  	s5 =	sshll.u32 @p0 s5, $0xE  }
0xa9: {  	s5 =	sadd.s32 @p0 $0x11B8D, s5;
	s6 =	sshll.u32 @p0 s4, $0x11  }
0xaa: {  	s5 =	sor.u32 @p0 s6, s5  }
0xab: {  	[sflag:s5] =	ssyncadd.remote.s32 @p0 $0x1;
	_ =	sdelay $0x1  }
0xac: {  	s5 =	simm.s32 @p0 $0x1B8D  }
0xad: {  	_ =	swait.eq @p0 [sflag:s5], $0x1  }
0xae: {  	[sflag:s5] =	ssyncadd.s32 @p0 $0xFFFFFFFF  }
0xaf: {  	s6 =	sshll.u32 @!p0 s1, $0xE  }
0xb0: {  	s6 =	sor.u32 @!p0 $0x4000, s6;
	s5 =	simm.s32 @!p0 $0x1B8D  }
0xb1: {  	s4 =	sshll.u32 @!p0 s4, $0x11;
	s6 =	sadd.s32 @!p0 $0x11B8D, s6;
	_ =	swait.eq @!p0 [sflag:s5], $0x1  }
0xb2: {  	s4 =	sor.u32 @!p0 s4, s6;
	[sflag:s5] =	ssyncadd.s32 @!p0 $0xFFFFFFFF  }
0xb3: {  	s25 =	simm.s32 $0x1B8E;
	s24 =	sld [smem:$0x3FFE];
	[sflag:s4] =	ssyncadd.remote.s32 @!p0 $0x1  }
0xb4: {  	s26 =	simm.s32 $execute0_lowered;
	[smem:$0x3FD2] =	sst s25  }
0xb5: {  	s5 =	sshll.u32 s26, $0x1;
	_ =	strace $0x80000049;
	[dreg:$0x1] =	wrdreg $0xFFFFFFFF  }
0xb6: {  	s28 =	simm.s32 $_size_execute0_lowered;
	s3 =	sadd.s32 s3, s5;
	[dreg:$0x0] =	wrdreg $0x0  }
0xb7: {  	s5 =	sshll.u32 s28, $0x1;
	[dreg:$0x2] =	wrdreg s3  }
0xb8: {  	[dreg:$0x3] =	wrdreg s5  }
0xb9: {  	[dreg:$0x4] =	wrdreg $0xC0  }
0xba: {  	_ =	task [dreg:s22], $0x5FFFF  }
0xbb: {  	[dreg:$0x1] =	wrdreg $0xFFFFFFFF  }
0xbc: {  	[dreg:$0x0] =	wrdreg $0x60  }
0xbd: {  	[dreg:$0x2] =	wrdreg s24  }
0xbe: {  	[dreg:$0x3] =	wrdreg $0x9  }
0xbf: {  	_ =	task.clear_ibuf [dreg:s22], $0x4FFFF;
	_ =	strace $0x90000049  }
0xc0: {  	s29 =	simm.s32 $0x9;
	_ =	strace $0x8000004B  }
0xc1: {  	_ =	swait.ge [sflag:s29], $0x1  }
0xc2: {  	[sflag:s29] =	ssyncadd.s32 $0xFFFFFFFF  }
0xc3: {  	_ =	strace $0x9000004B  }
0xc4: {  	_ =	sfence  }
0xc5: {  	s30 =	sld [smem:$0x0];
	_ =	sdelay $0x2  }
0xc6: {  	s31 =	sshll.u32 s1, $0xD;
	s1 =	sshrl.u32 s1, $0x2  }
0xc7: {  	s4 =	sand.u32 $0x4000, s31;
	s1 =	sadd.s32 s1, s30  }
0xc8: {  	s0 =	sor.u32 s4, s0;
	s1 =	sshll.u32 s1, $0x11  }
0xc9: {  	s0 =	sor.u32 s1, s0  }
0xca: {  	s0 =	sadd.s32 $0x8F2B, s0  }
0xcb: {  	[sflag:s0] =	ssyncadd.remote.s32 $0x1  }
0xcc: {  	_ =	sfence.sel $0xFFFF  }
0xcd: {  	[dreg:$0x0] =	wrdreg $0xFFFFFFFF;
	(pc) =	sbr.abs _section_cstart, $3  }
0xce: {  	[dreg:$0x1] =	wrdreg $0xFFFFFFFF  }
0xcf: {  	_ =	task.clear_ibuf [dreg:s22], $0x2FFFF;
	_ =	strace $0x9FFFFFFF  }
0xd0: {  	(tm) =	ssettm $0x7FFFFFFF  }
0xd1: {  	_ =	shalt  }
tec
execute0_lowered:
.L_overlay_start_1:
0x0: {  	(tag) =	ssettag $0x1  }
0x1: {  	s0 =	srdreg.scid  }
0x2: {  	s1 =	sshll.u32 s0, $0x4  }
0x3: {  	s0 =	stileid.u32;
	s1 =	sand.u32 $0x10, s1  }
0x4: {  	s2 =	sor.u32 s0, s1  }
0x5: {  	s1 =	smin.u32 s2, $0x12  }
0x6: {  	s1 =	sadd.s32 s2, s1  }
0x7: {  	p0 =	slt.u32 s2, $0x12;
	s2 =	simm.s32 $0x320;
	s1 =	smul.u32 $0x190, s1  }
0x8: {  	s2 =	simm.s32 @!p0 $0x190  }
0x9: {  	s2 =	sadd.s32 s2, s1  }
0xa: {  	s3 =	smin.u32 s2, $0x4E20  }
0xb: {  	s7 =	ssub.s32 s3, s1  }
0xc: {  	p0 =	sgt.s32 s7, $0x0  }
0xd: {  	s7 =	simm.s32 @!p0 $0x0  }
0xe: {  	s31 =	sand.u32 $0xFFF0, s7  }
0xf: {  	s2 =	sshrl.u32 s31, $0x4  }
0x10: {  	s2 =	smul.u32 $0xA3E, s2  }
0x11: {  	s4 =	rddreg [dreg:$0x0];
	s6 =	simm.s32 $0x1  }
0x12: {  	s10 =	simm.s32 $0x3;
	s13 =	simm.s32 $0x0;
	s8 =	sshrl.u32 s2, $0x10  }
0x13: {  	s12 =	simm.s32 $0x0;
	s5 =	sadd.s32 $0x1400, s4;
	s9 =	smul.u32 $0x190, s8  }
.Ltmp0:
0x14: {  	s11 =	smov.u32 s1;
	s2 =	rddreg [dreg:$0x1];
	(pc) =	sbr.rel .LBB2_1-.Ltmp0, $4  }
0x15: {  	_ =	strace $0x8000004A;
	p0 =	sne.s32 s7, s9;
	s9 =	simm.s32 $0x1  }
0x16: {  	[sflag:s6] =	ssyncpa.u1 $0x0;
	s7 =	simm.s32 $0x2;
	s9 =	simm.s32 @!p0 $0x0  }
0x17: {  	[sflag:s7] =	ssyncpa.u1 $0x0;
	p0 =	por $0x0, $0x0;
	s8 =	sadd.s32 s8, s9  }
0x18: {  	vm0 =	vmmov $0xff;
	vm1 =	vcmask $0x3F20;
	s9 =	sadd.s32 $0x4F600, s4;
	[sflag:s10] =	ssyncpa.u1 $0x0;
	s10 =	sadd.s32 $0x1, s8  }
.LBB2_6:
0x19: {  	[hbm:s17] =	stream.linear.scatter [tilespmem:s14], [sflag:$0x3], $0x400, $0x38;
	[tilespmem:$0x19320] =	vst v63  }
.LBB2_7:
0x1a: {  	s13 =	sadd.s32 $0x190, s11  }
0x1b: {  	s15 =	smov.u32 s1;
	p2 =	slt.s32 s13, s3  }
0x1c: {  	s15 =	smov.u32 @p2 s13;
	p2 =	sne.s32 s12, s10  }
.Ltmp1:
0x1d: {  	p1 =	slt.u32 s12, $0x2;
	(pc) =	sbr.rel @!p2 .LBB2_8-.Ltmp1, $4  }
0x1e: {  	s14 =	simm.s32 @!p1 $0x3  }
0x1f: {  	s16 =	sadd.s32 $0x1, s12;
	_ =	swait.ge @!p1 [sflag:s14], $0xC800  }
0x20: {  	p0 =	por !p0, !p0;
	s13 =	smov.u32 s11;
	[sflag:s14] =	ssyncset.done @!p1 $0x0  }
0x21: {  	s12 =	smov.u32 s16;
	s11 =	smov.u32 s15;
	[sflag:s14] =	ssyncadd.s32 @!p1 $0xFFFF3800  }
.LBB2_1:
0x22: {  	p1 =	sge.u32 s12, s8  }
0x23: {  	s14 =	sxor.u32 @!p1 $0xFFFFFFFF, s12  }
0x24: {  	s14 =	sand.u32 @!p1 $0x1, s14  }
0x25: {  	s14 =	smul.u32 @!p1 $0x640, s14  }
0x26: {  	s31 =	sadd.s32 $0xFFFFFFFF, s12;
	s15 =	sshrl.u32 @!p1 s11, $0x3  }
0x27: {  	s16 =	sand.u32 @!p1 $0x7, s11;
	s15 =	sadd.s32 @!p1 s4, s15;
	s14 =	sshrl.u32 @!p1 s14, $0x2  }
0x28: {  	[tilespmem:s14], [sflag:$0x2] =	stream.linear.gather @!p1 [hbm4b:s15+s16], $0x190, $0x38;
	[tilespmem:$0x19320] =	vst v63  }
0x29: {  	p1 =	sge.u32 s31, s8  }
.Ltmp2:
0x2a: {  	_ = 	snop;
	(pc) =	sbr.rel @p1 .LBB2_7-.Ltmp2, $1  }
0x2b: {  	_ =	sdelay $0x3  }
0x2c: {  	s14 =	simm.s32 $0x1  }
0x2d: {  	s14 =	simm.s32 @!p0 $0x0  }
0x2e: {  	s15 =	smul.u32 $0x640, s14  }
0x2f: {  	_ =	swait.ge [sflag:s7], $0x190  }
0x30: {  	[sflag:s7] =	ssyncset.done $0x0;
	s16 =	sshrl.u32 s15, $0x2  }
0x31: {  	[sflag:s7] =	ssyncadd.s32 $0xFFFFFE70;
	s15 =	sadd.s32 $0x0, s16  }
0x32: {  	v0 =	vld.msk [tilespmem:s15+$0x0 ss:$0x1], $0xffff;
	_ =	sdelay $0x4  }
0x33: {  	vm2 =	vgt.s32 v0, $0x0  }
0x34: {  	v0 =	vnsel vm2, $0x0, v0  }
0x35: {  	v0 =	vmin.u32 v0, $0x4E1F  }
0x36: {  	v0 =	vshll.u32 v0, $0x4  }
0x37: {  	s14 =	smul.u32 $0x32000, s14;
	_ =	sdelay $0x1  }
0x38: {  	s14 =	sshrl.u32 s14, $0x2  }
0x39: {  	s14 =	sor.u32 $0x320, s14  }
0x3a: {  	[tilespmem:s14], [sflag:$0x1] =	stream.indirect_vreg.gather [hbm:s5], $0x80, v0, vm0, $0x38;
	[tilespmem:$0x19320] =	vst v63  }
0x3b: {  	s17 =	sadd.s32 $0x10, s16;
	s15 =	sadd.s32 $0x400, s14  }
0x3c: {  	[tilespmem:s15], [sflag:$0x1] =	stream.indirect_vreg.gather [hbm:s5], $0x80, v0, vm1, $0x38;
	[tilespmem:$0x19320] =	vst v63  }
0x3d: {  	s18 =	simm.s32 $0x80;
	v0 =	vld.msk [tilespmem:s17+$0x0 ss:$0x1], $0xffff;
	s17 =	smov.u32 s14  }
.LBB2_3:
0x3e: {  	p1 =	sne.s32 s18, $0x600;
	_ =	sdelay $0x4  }
0x3f: {  	vm2 =	vgt.s32 v0, $0x0  }
0x40: {  	v0 =	vnsel vm2, $0x0, v0  }
0x41: {  	v0 =	vmin.u32 v0, $0x4E1F  }
0x42: {  	v0 =	vshll.u32 v0, $0x4;
	_ =	sdelay $0x3  }
.Ltmp3:
0x43: {  	s19 =	sshra.s32 s18, $0x2;
	s17 =	sadd.s32 $0x800, s17;
	(pc) =	sbr.rel @p1 .LBB2_3-.Ltmp3, $4  }
0x44: {  	[tilespmem:s17], [sflag:$0x1] =	stream.indirect_vreg.gather [hbm:s5], $0x80, v0, vm0, $0x38;
	[tilespmem:$0x19320] =	vst v63  }
0x45: {  	s19 =	sadd.s32 s19, s16;
	s20 =	sadd.s32 $0x400, s17  }
0x46: {  	[tilespmem:s20], [sflag:$0x1] =	stream.indirect_vreg.gather [hbm:s5], $0x80, v0, vm1, $0x38;
	[tilespmem:$0x19320] =	vst v63  }
0x47: {  	s18 =	sadd.s32 $0x40, s18;
	v0 =	vld.msk [tilespmem:s19+$0x0 ss:$0x1], $0xffff  }
0x48: {  	_ =	sdelay $0x3  }
0x49: {  	vm2 =	vgt.s32 v0, $0x0  }
0x4a: {  	v0 =	vnsel vm2, $0x0, v0  }
0x4b: {  	v0 =	vmin.u32 v0, $0x4E1F  }
0x4c: {  	v0 =	vshll.u32 v0, $0x4;
	_ =	sdelay $0x3  }
0x4d: {  	s16 =	sadd.s32 $0x800, s17  }
0x4e: {  	[tilespmem:s16], [sflag:$0x1] =	stream.indirect_vreg.gather [hbm:s5], $0x80, v0, vm0, $0x38;
	[tilespmem:$0x19320] =	vst v63  }
0x4f: {  	s16 =	sadd.s32 $0x400, s16  }
0x50: {  	[tilespmem:s16], [sflag:$0x1] =	stream.indirect_vreg.gather [hbm:s5], $0x80, v0, vm1, $0x38;
	[tilespmem:$0x19320] =	vst v63  }
0x51: {  	s13 =	sshll.u32 s13, $0x4;
	_ =	swait.ge [sflag:s6], $0xC800  }
0x52: {  	s13 =	sadd.s32 s13, s9;
	[sflag:s6] =	ssyncset.done $0x0  }
0x53: {  	s17 =	sadd.s32 $0x0, s13;
	s16 =	simm.s32 $0x80;
	[sflag:s6] =	ssyncadd.s32 $0xFFFF3800  }
.LBB2_5:
0x54: {  	[hbm:s17] =	stream.linear.scatter [tilespmem:s14], [sflag:$0x3], $0x400, $0x38;
	[tilespmem:$0x19320] =	vst v63  }
0x55: {  	s17 =	smov.u32 s16;
	s14 =	smov.u32 s15;
	p1 =	sne.s32 s16, $0x1880  }
.Ltmp4:
0x56: {  	s16 =	sadd.s32 $0x80, s16;
	(pc) =	sbr.rel @p1 .LBB2_5-.Ltmp4, $2  }
0x57: {  	_ =	sdelay $0x2  }
0x58: {  	s15 =	sadd.s32 $0x400, s15;
	s17 =	sadd.s32 s17, s13  }
.Ltmp5:
0x59: {  	_ = 	snop;
	(pc) =	sbr.rel .LBB2_6-.Ltmp5, $1  }
0x5a: {  	_ =	sdelay $0x3  }
.LBB2_8:
0x5b: {  	_ =	sfence.sel $0x180000  }
0x5c: {  	s1 =	simm.s32 $0x2;
	[bflag:$0x0] =	sbarrier.arrive $0xFFFF  }
0x5d: {  	s30 =	simm.s32 $0x3;
	[sflag:s1] =	ssyncpa.u1 $0x1  }
0x5e: {  	s31 =	simm.s32 $0x1;
	[sflag:s30] =	ssyncpa.u1 $0x1  }
0x5f: {  	[sflag:s31] =	ssyncpa.u1 $0x1  }
0x60: {  	p0 =	sne.s32 s0, $0x0;
	_ =	strace $0x9000004A  }
0x61: {  	s0 =	sadd.s32 @!p0 $0x100000, s2;
	[bflag:$0x2] =	sbarrier.arrive $0xFFFF  }
0x62: {  	[sflag:s0] =	ssyncadd.tile.s32 @!p0 $0x1;
	_ =	shalt  }
.Lfunc_end2:
_tile_overlayer_lowered:
.L_overlay_start_2:
0x63: {  	(tag) =	ssettag $0x2  }
0x64: {  	s0 =	rddreg [dreg:$0x0];
	s2 =	stileid.u32  }
0x65: {  	s1 =	rddreg [dreg:$0x1];
	p0 =	sne.s32 s2, $0x0  }
0x66: {  	s3 =	rddreg [dreg:$0x2];
	[bflag:$0x3] =	sbarrier.arrive $0xFFFF;
	s2 =	simm.s32 @!p0 $0x1C01  }
0x67: {  	[timem:s3], [sflag:s2] =	dma.local @!p0 [hbm:s0], s1  }
0x68: {  	s0 =	simm.s32 @!p0 $0x1  }
0x69: {  	_ =	swait.ge @!p0 [sflag:s0], s1  }
0x6a: {  	s1 =	ssub.s32 @!p0 $0x0, s1;
	[sflag:s0] =	ssyncset.done @!p0 $0x0  }
0x6b: {  	[sflag:s0] =	ssyncadd.s32 @!p0 s1  }
0x6c: {  	[bflag:$0x3] =	sbarrier.arrive $0xFFFF  }
0x6d: {  	_ =	shalt  }

</sc_bundles>
